<compile_context>
chip_gen: v7x
topology: tpu7x:2x2x1
jax: 0.10.2.dev20260603
libtpu: 0.0.44.dev20260713+nightly
codegen_flags: <defaults>
</compile_context>

<pallas_src>
import functools

import jax
import jax.numpy as jnp
from jax import lax
from jax.experimental import pallas as pl
from jax.experimental.pallas import tpu as pltpu
from jax.experimental.pallas import tpu_sc as plsc

_N_P = 16384
_N_S = 4096
_BR = 1024
_GRID = _N_P // _BR

_NC = 2
_NS = 16
_NW = _NC * _NS
_B_PER_W = _N_P // _NW
_LANES = 16
_N_VEC = _B_PER_W // _LANES


def _tc_body(p_ref, pst_ref, sp_ref, rowdist_ref, rowarg_ref, colterm_ref,
             colmin_ref):
    i = pl.program_id(0)
    p = p_ref[...]
    p2 = p * -2.0
    pst = pst_ref[...]
    pn = jnp.sum(p * p, axis=1)
    psn = jnp.sum(pst * pst, axis=0, keepdims=True)
    m2 = jnp.dot(p2, pst, preferred_element_type=jnp.float32)

    t = psn + m2
    rowmin = jnp.min(t, axis=1) + pn
    rowarg = jnp.argmin(t, axis=1)
    rowdist_ref[...] = jnp.sqrt(jnp.maximum(rowmin, 0.0))
    rowarg_ref[...] = rowarg

    u = pn[:, None] + m2
    bmin = jnp.min(u, axis=0, keepdims=True)

    @pl.when(i == 0)
    def _():
        colmin_ref[...] = bmin

    @pl.when(i > 0)
    def _():
        colmin_ref[...] = jnp.minimum(colmin_ref[...], bmin)

    @pl.when(i == _GRID - 1)
    def _():
        cold = jnp.sqrt(jnp.maximum(colmin_ref[...] + psn, 0.0))
        colterm_ref[...] = jnp.sum(cold * sp_ref[...]).reshape(1, 1)


_tc_call = pl.pallas_call(
    _tc_body,
    grid=(_GRID,),
    in_specs=[
        pl.BlockSpec((_BR, 3), lambda i: (i, 0)),
        pl.BlockSpec((3, _N_S), lambda i: (0, 0)),
        pl.BlockSpec((1, _N_S), lambda i: (0, 0)),
    ],
    out_specs=[
        pl.BlockSpec((_BR,), lambda i: (i,)),
        pl.BlockSpec((_BR,), lambda i: (i,)),
        pl.BlockSpec((1, 1), lambda i: (0, 0)),
    ],
    out_shape=[
        jax.ShapeDtypeStruct((_N_P,), jnp.float32),
        jax.ShapeDtypeStruct((_N_P,), jnp.int32),
        jax.ShapeDtypeStruct((1, 1), jnp.float32),
    ],
    scratch_shapes=[
        pltpu.VMEM((1, _N_S), jnp.float32),
    ],
    compiler_params=pltpu.CompilerParams(
        dimension_semantics=("arbitrary",)),
)


@functools.cache
def _make_sc_gather():
    @functools.partial(
        pl.kernel,
        out_type=jax.ShapeDtypeStruct((_NW, _LANES), jnp.float32),
        mesh=plsc.VectorSubcoreMesh(core_axis_name="c", subcore_axis_name="s",
                                    num_cores=_NC, num_subcores=_NS),
        scratch_types=[
            pltpu.VMEM((_B_PER_W,), jnp.int32),
            pltpu.VMEM((_B_PER_W,), jnp.float32),
            pltpu.VMEM((_N_S,), jnp.float32),
            pltpu.VMEM((_LANES,), jnp.float32),
            pltpu.SemaphoreType.DMA,
            pltpu.SemaphoreType.DMA,
            pltpu.SemaphoreType.DMA,
        ],
        compiler_params=pltpu.CompilerParams(needs_layout_passes=False),
    )
    def _sc_gather(dist_hbm, idx_hbm, sp_hbm, out_hbm,
                   idx_v, dist_v, sp_v, acc_v, s1, s2, s3):
        wid = lax.axis_index("s") * _NC + lax.axis_index("c")
        base = wid * _B_PER_W
        c1 = pltpu.make_async_copy(idx_hbm.at[pl.ds(base, _B_PER_W)],
                                   idx_v, s1)
        c2 = pltpu.make_async_copy(dist_hbm.at[pl.ds(base, _B_PER_W)],
                                   dist_v, s2)
        c3 = pltpu.make_async_copy(sp_hbm, sp_v, s3)
        c1.start()
        c2.start()
        c3.start()
        c1.wait()
        c2.wait()
        c3.wait()

        def body(i, acc):
            idx = idx_v[pl.ds(i * _LANES, _LANES)]
            d = dist_v[pl.ds(i * _LANES, _LANES)]
            vals = plsc.load_gather(sp_v, [idx])
            return acc + d * vals

        acc = lax.fori_loop(0, _N_VEC, body,
                            jnp.zeros((_LANES,), jnp.float32))
        acc_v[...] = acc
        pltpu.sync_copy(acc_v, out_hbm.at[wid])

    return _sc_gather


def kernel(P, Ps, sample_prob):
    sp2 = sample_prob.reshape(1, _N_S)
    rowdist, rowarg, colterm = _tc_call(P, Ps.T, sp2)
    partials = _make_sc_gather()(rowdist, rowarg, sample_prob)
    return colterm[0, 0] + jnp.sum(partials)

# --- scband reference (transcript-rebuilt; emitter-appended) ---
"""Pipeline reference for scband-probabilistic-chamfer-distance-loss-15925738734020 (READ-ONLY COPY).

The authoritative reference and input builder live on the scoring server;
editing this copy changes nothing except your own understanding.
"""

import jax, jax.numpy as jnp
import numpy as np


def _cdist(a, b):
    # Euclidean distance matrix, matches torch.cdist(p=2)
    sq = (jnp.sum(a * a, axis=1)[:, None]
          + jnp.sum(b * b, axis=1)[None, :]
          - 2.0 * (a @ b.T))
    return jnp.sqrt(jnp.maximum(sq, 0.0))


def setup_inputs(seed: int = 0) -> dict:
    key = jax.random.key(seed)
    k1, k2, k3 = jax.random.split(key, 3)
    P = jax.random.normal(k1, (16384, 3), dtype=jnp.float32)
    Ps = jax.random.normal(k2, (4096, 3), dtype=jnp.float32)
    sample_prob = jax.random.uniform(k3, (4096,), dtype=jnp.float32)
    return {"P": P, "Ps": Ps, "sample_prob": sample_prob}


def reference(P, Ps, sample_prob):
    # simplified -> original: min distance per simplified point
    d_so = _cdist(Ps, P)
    dist_s_to_o = jnp.min(d_so, axis=1)
    # original -> simplified: min distance + argmin per original point
    d_os = _cdist(P, Ps)
    dist_o_to_s = jnp.min(d_os, axis=1)
    min_indices = jnp.argmin(d_os, axis=1)
    weighted_dist_s_to_o = dist_s_to_o * sample_prob
    weighted_dist_o_to_s = dist_o_to_s * sample_prob[min_indices]
    loss = jnp.sum(weighted_dist_s_to_o) + jnp.sum(weighted_dist_o_to_s)
    return loss

if __name__ == "__main__":
    import jax
    _d = setup_inputs()
    print(jax.jit(kernel)(*tuple(_d.values())))

</pallas_src>

<mosaic_0001>
#map = affine_map<(d0, d1) -> (0)>
#map1 = affine_map<(d0, d1) -> (0, 0)>
module attributes {stable_mosaic.version = 14 : i64} {
  func.func @_sc_gather(%arg0: i32, %arg1: i32, %arg2: memref<16384xf32, #tpu.memory_space<hbm>>, %arg3: memref<16384xi32, #tpu.memory_space<hbm>>, %arg4: memref<4096xf32, #tpu.memory_space<hbm>>, %arg5: memref<32x16xf32, #tpu.memory_space<hbm>>, %arg6: memref<512xi32, #tpu.memory_space<vmem>>, %arg7: memref<512xf32, #tpu.memory_space<vmem>>, %arg8: memref<4096xf32, #tpu.memory_space<vmem>>, %arg9: memref<16xf32, #tpu.memory_space<vmem>>, %arg10: memref<!tpu.dma_semaphore, #tpu.memory_space<semaphore_mem>>, %arg11: memref<!tpu.dma_semaphore, #tpu.memory_space<semaphore_mem>>, %arg12: memref<!tpu.dma_semaphore, #tpu.memory_space<semaphore_mem>>) attributes {dimension_semantics = [#tpu.dimension_semantics<core_parallel>, #tpu.dimension_semantics<subcore_parallel>], iteration_bounds = array<i64: 2, 16>, scalar_prefetch = 0 : i64, scratch_operands = 7 : i64, tpu.core_type = #tpu.core_type<sc_vector_subcore>, window_params = [{transform_indices = #map}, {transform_indices = #map}, {transform_indices = #map}, {transform_indices = #map1}]} {
    %mul3A = arith.constant 2 : i32
    %mul3A_0 = arith.muli %arg1, %mul3A : i32
    %add3A = arith.addi %mul3A_0, %arg0 : i32
    %mul3A_1 = arith.constant 512 : i32
    %mul3A_2 = arith.muli %add3A, %mul3A_1 : i32
    %dma_start3A = tpu.memref_slice %arg3[%mul3A_2] : memref<16384xi32, #tpu.memory_space<hbm>> -> memref<512xi32, #tpu.memory_space<hbm>>
    %dma_start3A_3 = tpu.memref_slice %arg3[%mul3A_2] : memref<16384xi32, #tpu.memory_space<hbm>> -> memref<512xi32, #tpu.memory_space<hbm>>
    tpu.enqueue_dma source(%dma_start3A_3 : memref<512xi32, #tpu.memory_space<hbm>>) target(%arg6 : memref<512xi32, #tpu.memory_space<vmem>>) target_semaphore(%arg10 : memref<!tpu.dma_semaphore, #tpu.memory_space<semaphore_mem>>)
    %dma_start3A_4 = tpu.memref_slice %arg2[%mul3A_2] : memref<16384xf32, #tpu.memory_space<hbm>> -> memref<512xf32, #tpu.memory_space<hbm>>
    %dma_start3A_5 = tpu.memref_slice %arg2[%mul3A_2] : memref<16384xf32, #tpu.memory_space<hbm>> -> memref<512xf32, #tpu.memory_space<hbm>>
    tpu.enqueue_dma source(%dma_start3A_5 : memref<512xf32, #tpu.memory_space<hbm>>) target(%arg7 : memref<512xf32, #tpu.memory_space<vmem>>) target_semaphore(%arg11 : memref<!tpu.dma_semaphore, #tpu.memory_space<semaphore_mem>>)
    tpu.enqueue_dma source(%arg4 : memref<4096xf32, #tpu.memory_space<hbm>>) target(%arg8 : memref<4096xf32, #tpu.memory_space<vmem>>) target_semaphore(%arg12 : memref<!tpu.dma_semaphore, #tpu.memory_space<semaphore_mem>>)
    %dma_wait3A = tpu.memref_slice %arg3[%mul3A_2] : memref<16384xi32, #tpu.memory_space<hbm>> -> memref<512xi32, #tpu.memory_space<hbm>>
    %dma_wait3A_6 = tpu.memref_slice %arg3[%mul3A_2] : memref<16384xi32, #tpu.memory_space<hbm>> -> memref<512xi32, #tpu.memory_space<hbm>>
    tpu.wait_dma2 semaphore(%arg10 : memref<!tpu.dma_semaphore, #tpu.memory_space<semaphore_mem>>) src(%dma_wait3A_6 : memref<512xi32, #tpu.memory_space<hbm>>) dst(%arg6 : memref<512xi32, #tpu.memory_space<vmem>>)
    %dma_wait3A_7 = tpu.memref_slice %arg2[%mul3A_2] : memref<16384xf32, #tpu.memory_space<hbm>> -> memref<512xf32, #tpu.memory_space<hbm>>
    %dma_wait3A_8 = tpu.memref_slice %arg2[%mul3A_2] : memref<16384xf32, #tpu.memory_space<hbm>> -> memref<512xf32, #tpu.memory_space<hbm>>
    tpu.wait_dma2 semaphore(%arg11 : memref<!tpu.dma_semaphore, #tpu.memory_space<semaphore_mem>>) src(%dma_wait3A_8 : memref<512xf32, #tpu.memory_space<hbm>>) dst(%arg7 : memref<512xf32, #tpu.memory_space<vmem>>)
    tpu.wait_dma2 semaphore(%arg12 : memref<!tpu.dma_semaphore, #tpu.memory_space<semaphore_mem>>) src(%arg4 : memref<4096xf32, #tpu.memory_space<hbm>>) dst(%arg8 : memref<4096xf32, #tpu.memory_space<vmem>>)
    %broadcast_in_dim3A = arith.constant 0.000000e+00 : f32
    %broadcast_in_dim3A_9 = vector.broadcast %broadcast_in_dim3A : f32 to vector<16xf32>
    %scan3A = arith.constant 0 : i32
    %scan3A_10 = arith.constant 32 : i32
    %scan3A_11 = arith.addi %scan3A, %scan3A_10 : i32
    %scan3A_12 = arith.constant 1 : i32
    %scan3A_13 = scf.for %scan3A_16 = %scan3A to %scan3A_11 step %scan3A_12 iter_args(%scan3A_17 = %broadcast_in_dim3A_9) -> (vector<16xf32>)  : i32 {
      %mul3A_18 = arith.constant 16 : i32
      %mul3A_19 = arith.muli %scan3A_16, %mul3A_18 : i32
      %get3A = arith.index_cast %mul3A_19 : i32 to index
      %get3A_20 = tpu.vector_load %arg6[%get3A] {strides = array<i32>} : memref<512xi32, #tpu.memory_space<vmem>>, vector<16xi32>,
      %mul3A_21 = arith.constant 16 : i32
      %mul3A_22 = arith.muli %scan3A_16, %mul3A_21 : i32
      %get3A_23 = arith.index_cast %mul3A_22 : i32 to index
      %get3A_24 = tpu.vector_load %arg7[%get3A_23] {strides = array<i32>} : memref<512xf32, #tpu.memory_space<vmem>>, vector<16xf32>,
      %gather3A = tpu.vector_load_idx %arg8[%get3A_20] : memref<4096xf32, #tpu.memory_space<vmem>>[vector<16xi32>], vector<16xf32>,
      %mul3A_25 = arith.mulf %get3A_24, %gather3A : vector<16xf32>
      %add3A_26 = arith.addf %scan3A_17, %mul3A_25 : vector<16xf32>
      scf.yield %add3A_26 : vector<16xf32>
    }
    %scan3A_14 = arith.constant 32 : i32
    %swap3A = arith.constant 0 : index
    %swap3A_15 = tpu.vector_load %arg9[%swap3A] {strides = array<i32>} : memref<16xf32, #tpu.memory_space<vmem>>, vector<16xf32>,
    tpu.vector_store %arg9[%swap3A], %scan3A_13 {strides = array<i32>} : memref<16xf32, #tpu.memory_space<vmem>>, vector<16xf32>,
    "tpu.region"() ({
      %run_scoped3A = tpu.sem_alloc : memref<!tpu.dma_semaphore, #tpu.memory_space<semaphore_mem>>
      %dma_start3A_16 = arith.constant 0 : i32
      %dma_start3A_17 = tpu.memref_slice %arg5[%add3A, %dma_start3A_16] : memref<32x16xf32, #tpu.memory_space<hbm>> -> memref<1x16xf32, #tpu.memory_space<hbm>>
      %dma_start3A_18 = tpu.memref_squeeze %dma_start3A_17 : memref<1x16xf32, #tpu.memory_space<hbm>> -> memref<16xf32, #tpu.memory_space<hbm>>
      %dma_start3A_19 = arith.constant 0 : i32
      %dma_start3A_20 = tpu.memref_slice %arg5[%add3A, %dma_start3A_19] : memref<32x16xf32, #tpu.memory_space<hbm>> -> memref<1x16xf32, #tpu.memory_space<hbm>>
      %dma_start3A_21 = tpu.memref_squeeze %dma_start3A_20 : memref<1x16xf32, #tpu.memory_space<hbm>> -> memref<16xf32, #tpu.memory_space<hbm>>
      tpu.enqueue_dma source(%arg9 : memref<16xf32, #tpu.memory_space<vmem>>) target(%dma_start3A_21 : memref<16xf32, #tpu.memory_space<hbm>>) target_semaphore(%run_scoped3A : memref<!tpu.dma_semaphore, #tpu.memory_space<semaphore_mem>>)
      %dma_wait3A_22 = arith.constant 0 : i32
      %dma_wait3A_23 = tpu.memref_slice %arg5[%add3A, %dma_wait3A_22] : memref<32x16xf32, #tpu.memory_space<hbm>> -> memref<1x16xf32, #tpu.memory_space<hbm>>
      %dma_wait3A_24 = tpu.memref_squeeze %dma_wait3A_23 : memref<1x16xf32, #tpu.memory_space<hbm>> -> memref<16xf32, #tpu.memory_space<hbm>>
      %dma_wait3A_25 = arith.constant 0 : i32
      %dma_wait3A_26 = tpu.memref_slice %arg5[%add3A, %dma_wait3A_25] : memref<32x16xf32, #tpu.memory_space<hbm>> -> memref<1x16xf32, #tpu.memory_space<hbm>>
      %dma_wait3A_27 = tpu.memref_squeeze %dma_wait3A_26 : memref<1x16xf32, #tpu.memory_space<hbm>> -> memref<16xf32, #tpu.memory_space<hbm>>
      tpu.wait_dma2 semaphore(%run_scoped3A : memref<!tpu.dma_semaphore, #tpu.memory_space<semaphore_mem>>) src(%arg9 : memref<16xf32, #tpu.memory_space<vmem>>) dst(%dma_wait3A_27 : memref<16xf32, #tpu.memory_space<hbm>>)
      tpu.yield
    }) : () -> ()
    return
  }
}

module attributes {stable_mosaic.version = 14 : i64} {
  func.func @_tc_body(%arg0: i32, %arg1: memref<1024x3xf32, #tpu.memory_space<vmem>>, %arg2: memref<3x4096xf32, #tpu.memory_space<vmem>>, %arg3: memref<1x4096xf32, #tpu.memory_space<vmem>>, %arg4: memref<1024xf32, #tpu.memory_space<vmem>>, %arg5: memref<1024xi32, #tpu.memory_space<vmem>>, %arg6: memref<1x1xf32, #tpu.memory_space<vmem>>, %arg7: memref<1x4096xf32, #tpu.memory_space<vmem>>) attributes {dimension_semantics = [#tpu.dimension_semantics<arbitrary>], iteration_bounds = array<i64: 16>, scalar_prefetch = 0 : i64, scratch_operands = 1 : i64, tpu.core_type = #tpu.core_type<tc>, window_params = [{transform_indices = @transform_0, window_bounds = array<i64: 1024, 3>}, {pipeline_mode = #tpu.pipeline_mode<synchronous>, transform_indices = @transform_1, window_bounds = array<i64: 3, 4096>}, {pipeline_mode = #tpu.pipeline_mode<synchronous>, transform_indices = @transform_2, window_bounds = array<i64: 1, 4096>}, {transform_indices = @transform_3, window_bounds = array<i64: 1024>}, {transform_indices = @transform_4, window_bounds = array<i64: 1024>}, {pipeline_mode = #tpu.pipeline_mode<synchronous>, transform_indices = @transform_5, window_bounds = array<i64: 1, 1>}]} {
    %get3A = arith.constant 0 : index
    %get3A_0 = arith.constant 0 : index
    %get3A_1 = vector.load %arg1[%get3A, %get3A_0] : memref<1024x3xf32, #tpu.memory_space<vmem>>, vector<1024x3xf32>
    %mul3A = arith.constant -2.000000e+00 : f32
    %mul3A_2 = vector.broadcast %mul3A : f32 to vector<1024x3xf32>
    %mul3A_3 = arith.mulf %get3A_1, %mul3A_2 : vector<1024x3xf32>
    %get3A_4 = arith.constant 0 : index
    %get3A_5 = arith.constant 0 : index
    %get3A_6 = vector.load %arg2[%get3A_4, %get3A_5] : memref<3x4096xf32, #tpu.memory_space<vmem>>, vector<3x4096xf32>
    %mul3A_7 = arith.mulf %get3A_1, %get3A_1 : vector<1024x3xf32>
    %reduce_sum3A = arith.constant dense<0.000000e+00> : vector<1024xf32>
    %reduce_sum3A_8 = vector.multi_reduction <add>, %mul3A_7, %reduce_sum3A [1] : vector<1024x3xf32> to vector<1024xf32>
    %mul3A_9 = arith.mulf %get3A_6, %get3A_6 : vector<3x4096xf32>
    %reduce_sum3A_10 = arith.constant dense<0.000000e+00> : vector<4096xf32>
    %reduce_sum3A_11 = vector.multi_reduction <add>, %mul3A_9, %reduce_sum3A_10 [0] : vector<3x4096xf32> to vector<4096xf32>
    %broadcast_in_dim3A = vector.shape_cast %reduce_sum3A_11 : vector<4096xf32> to vector<1x4096xf32>
    %dot_general3A = arith.constant dense<0.000000e+00> : vector<1024x4096xf32>
    %dot_general3A_12 = tpu.matmul %mul3A_3, %get3A_6, %dot_general3A {dimension_numbers = #tpu.dot_dimension_numbers<[1], [0], [0], [1], [0, 0, 1, 1], [], []>, transpose_lhs_hint = false} : vector<1024x3xf32>, vector<3x4096xf32>, vector<1024x4096xf32> -> vector<1024x4096xf32>
    %add3A = vector.broadcast %broadcast_in_dim3A : vector<1x4096xf32> to vector<1024x4096xf32>
    %add3A_13 = arith.addf %add3A, %dot_general3A_12 : vector<1024x4096xf32>
    %reduce_min3A = arith.constant dense<0x7F800000> : vector<1024xf32>
    %reduce_min3A_14 = vector.multi_reduction <minimumf>, %add3A_13, %reduce_min3A [1] : vector<1024x4096xf32> to vector<1024xf32>
    %add3A_15 = arith.addf %reduce_min3A_14, %reduce_sum3A_8 : vector<1024xf32>
    %argmin3A = tpu.reduce_index %add3A_13 {axis = 1 : i32, kind = #tpu.reduction_kind<arg_min>} : vector<1024x4096xf32> -> vector<1024xi32>
    %max3A = arith.constant 0.000000e+00 : f32
    %max3A_16 = vector.broadcast %max3A : f32 to vector<1024xf32>
    %max3A_17 = arith.maximumf %add3A_15, %max3A_16 : vector<1024xf32>
    %sqrt3A = math.sqrt %max3A_17 : vector<1024xf32>
    %swap3A = arith.constant 0 : index
    %swap3A_18 = vector.load %arg4[%swap3A] : memref<1024xf32, #tpu.memory_space<vmem>>, vector<1024xf32>
    tpu.vector_store %arg4[%swap3A], %sqrt3A {strides = array<i32>} : memref<1024xf32, #tpu.memory_space<vmem>>, vector<1024xf32>,
    %swap3A_19 = arith.constant 0 : index
    %swap3A_20 = vector.load %arg5[%swap3A_19] : memref<1024xi32, #tpu.memory_space<vmem>>, vector<1024xi32>
    tpu.vector_store %arg5[%swap3A_19], %argmin3A {strides = array<i32>} : memref<1024xi32, #tpu.memory_space<vmem>>, vector<1024xi32>,
    %broadcast_in_dim3A_21 = vector.shape_cast %reduce_sum3A_8 : vector<1024xf32> to vector<1024x1xf32>
    %add3A_22 = vector.broadcast %broadcast_in_dim3A_21 : vector<1024x1xf32> to vector<1024x4096xf32>
    %add3A_23 = arith.addf %add3A_22, %dot_general3A_12 : vector<1024x4096xf32>
    %reduce_min3A_24 = arith.constant dense<0x7F800000> : vector<4096xf32>
    %reduce_min3A_25 = vector.multi_reduction <minimumf>, %add3A_23, %reduce_min3A_24 [0] : vector<1024x4096xf32> to vector<4096xf32>
    %broadcast_in_dim3A_26 = vector.shape_cast %reduce_min3A_25 : vector<4096xf32> to vector<1x4096xf32>
    %eq3A = arith.constant 0 : i32
    %eq3A_27 = arith.cmpi eq, %arg0, %eq3A : i32
    %convert_element_type3A = arith.extui %eq3A_27 : i1 to i32
    %cond3A = arith.constant 0 : i32
    %cond3A_28 = arith.cmpi ne, %convert_element_type3A, %cond3A : i32
    scf.if %cond3A_28 {
      %swap3A_38 = arith.constant 0 : index
      %swap3A_39 = arith.constant 0 : index
      %swap3A_40 = vector.load %arg7[%swap3A_38, %swap3A_39] : memref<1x4096xf32, #tpu.memory_space<vmem>>, vector<1x4096xf32>
      tpu.vector_store %arg7[%swap3A_38, %swap3A_39], %broadcast_in_dim3A_26 {strides = array<i32>} : memref<1x4096xf32, #tpu.memory_space<vmem>>, vector<1x4096xf32>,
    } else {
    }
    %gt3A = arith.constant 0 : i32
    %gt3A_29 = arith.cmpi sgt, %arg0, %gt3A : i32
    %convert_element_type3A_30 = arith.extui %gt3A_29 : i1 to i32
    %cond3A_31 = arith.constant 0 : i32
    %cond3A_32 = arith.cmpi ne, %convert_element_type3A_30, %cond3A_31 : i32
    scf.if %cond3A_32 {
      %get3A_38 = arith.constant 0 : index
      %get3A_39 = arith.constant 0 : index
      %get3A_40 = vector.load %arg7[%get3A_38, %get3A_39] : memref<1x4096xf32, #tpu.memory_space<vmem>>, vector<1x4096xf32>
      %min3A = arith.minimumf %get3A_40, %broadcast_in_dim3A_26 : vector<1x4096xf32>
      %swap3A_41 = arith.constant 0 : index
      %swap3A_42 = arith.constant 0 : index
      %swap3A_43 = vector.load %arg7[%swap3A_41, %swap3A_42] : memref<1x4096xf32, #tpu.memory_space<vmem>>, vector<1x4096xf32>
      tpu.vector_store %arg7[%swap3A_41, %swap3A_42], %min3A {strides = array<i32>} : memref<1x4096xf32, #tpu.memory_space<vmem>>, vector<1x4096xf32>,
    } else {
    }
    %eq3A_33 = arith.constant 15 : i32
    %eq3A_34 = arith.cmpi eq, %arg0, %eq3A_33 : i32
    %convert_element_type3A_35 = arith.extui %eq3A_34 : i1 to i32
    %cond3A_36 = arith.constant 0 : i32
    %cond3A_37 = arith.cmpi ne, %convert_element_type3A_35, %cond3A_36 : i32
    scf.if %cond3A_37 {
      %get3A_38 = arith.constant 0 : index
      %get3A_39 = arith.constant 0 : index
      %get3A_40 = vector.load %arg7[%get3A_38, %get3A_39] : memref<1x4096xf32, #tpu.memory_space<vmem>>, vector<1x4096xf32>
      %add3A_41 = arith.addf %get3A_40, %broadcast_in_dim3A : vector<1x4096xf32>
      %max3A_42 = arith.constant 0.000000e+00 : f32
      %max3A_43 = vector.broadcast %max3A_42 : f32 to vector<1x4096xf32>
      %max3A_44 = arith.maximumf %add3A_41, %max3A_43 : vector<1x4096xf32>
      %sqrt3A_45 = math.sqrt %max3A_44 : vector<1x4096xf32>
      %get3A_46 = arith.constant 0 : index
      %get3A_47 = arith.constant 0 : index
      %get3A_48 = vector.load %arg3[%get3A_46, %get3A_47] : memref<1x4096xf32, #tpu.memory_space<vmem>>, vector<1x4096xf32>
      %mul3A_49 = arith.mulf %sqrt3A_45, %get3A_48 : vector<1x4096xf32>
      %reduce_sum3A_50 = vector.shape_cast %mul3A_49 : vector<1x4096xf32> to vector<1x1x4096xf32>
      %reduce_sum3A_51 = arith.constant dense<0.000000e+00> : vector<1xf32>
      %reduce_sum3A_52 = vector.multi_reduction <add>, %reduce_sum3A_50, %reduce_sum3A_51 [1, 2] : vector<1x1x4096xf32> to vector<1xf32>
      %reduce_sum3A_53 = vector.shape_cast %reduce_sum3A_52 : vector<1xf32> to vector<1x1x1xf32>
      %reduce_sum3A_54 = vector.extract %reduce_sum3A_53[0, 0, 0] : f32 from vector<1x1x1xf32>
      %reshape3A = vector.broadcast %reduce_sum3A_54 : f32 to vector<1x1xf32>
      %swap3A_55 = arith.constant 0 : index
      %swap3A_56 = arith.constant 0 : index
      %swap3A_57 = vector.load %arg6[%swap3A_55, %swap3A_56] : memref<1x1xf32, #tpu.memory_space<vmem>>, vector<1x1xf32>
      tpu.vector_store %arg6[%swap3A_55, %swap3A_56], %reshape3A {strides = array<i32>} : memref<1x1xf32, #tpu.memory_space<vmem>>, vector<1x1xf32>,
    } else {
    }
    return
  }
  func.func @transform_0(%arg0: i32) -> (i32, i32) {
    %c0_i32 = arith.constant 0 : i32
    %c0_i32_0 = arith.constant 0 : i32
    return %arg0, %c0_i32 : i32, i32
  }
  func.func @transform_1(%arg0: i32) -> (i32, i32) {
    %c0_i32 = arith.constant 0 : i32
    %c0_i32_0 = arith.constant 0 : i32
    %c0_i32_1 = arith.constant 0 : i32
    return %c0_i32, %c0_i32_0 : i32, i32
  }
  func.func @transform_2(%arg0: i32) -> (i32, i32) {
    %c0_i32 = arith.constant 0 : i32
    %c0_i32_0 = arith.constant 0 : i32
    %c0_i32_1 = arith.constant 0 : i32
    return %c0_i32, %c0_i32_0 : i32, i32
  }
  func.func @transform_3(%arg0: i32) -> i32 {
    %c0_i32 = arith.constant 0 : i32
    return %arg0 : i32
  }
  func.func @transform_4(%arg0: i32) -> i32 {
    %c0_i32 = arith.constant 0 : i32
    return %arg0 : i32
  }
  func.func @transform_5(%arg0: i32) -> (i32, i32) {
    %c0_i32 = arith.constant 0 : i32
    %c0_i32_0 = arith.constant 0 : i32
    %c0_i32_1 = arith.constant 0 : i32
    return %c0_i32, %c0_i32_0 : i32, i32
  }
}

</mosaic_0001>

<sc_bundles>
// kernel: kernel.4.cloned.1.call-start
scs
__scs_entry_jumppad:
0x0: {  	(pc) =	sbr.rel $0x88, $3  }
0x1: {  	(tag) =	ssettag $0x0;
	lr =	simm.s32 $0x1  }
0x2: {  	[smem:$0x3F9E] =	sst lr;
	_ =	strace $0xD0000000  }
0x3: {  	_ = 	snop  }
0x4: {  	_ = 	snop  }
0x5: {  	_ = 	snop  }
0x6: {  	_ = 	snop  }
0x7: {  	_ = 	snop  }
__scs_overlays_trampoline_lowered:
0x8: {  	[smem:$0x3FAD] =	sst s0  }
0x9: {  	[smem:$0x3FAE] =	sst s1  }
0xa: {  	[smem:$0x3FAF] =	sst s2  }
0xb: {  	[smem:$0x3FB0] =	sst s3  }
0xc: {  	[smem:$0x3FB1] =	sst s4  }
0xd: {  	[smem:$0x3FB2] =	sst s5  }
0xe: {  	[smem:$0x3FB3] =	sst s6  }
0xf: {  	[smem:$0x3FB4] =	sst s7  }
0x10: {  	[smem:$0x3FB5] =	sst s8  }
0x11: {  	[smem:$0x3FB6] =	sst s9;
	s0 =	simm.s32 @!p0 $0x0  }
0x12: {  	s1 =	sld [smem:$0x3F9C];
	s0 =	simm.s32 @p0 $0x1  }
0x13: {  	[smem:$0x3FB7] =	sst s0;
	s0 =	simm.s32 @!p1 $0x0  }
0x14: {  	s2 =	sld [smem:$0x3F9B];
	s0 =	simm.s32 @p1 $0x1  }
0x15: {  	[smem:$0x3FB8] =	sst s0;
	s0 =	simm.s32 @!p2 $0x0  }
0x16: {  	s3 =	sld [smem:$0x3FDB];
	s0 =	simm.s32 @p2 $0x1  }
0x17: {  	s4 =	simm.s32 $0x1BF5;
	[smem:$0x3FBA] =	sst s0  }
0x18: {  	s0 =	sld [smem:$0x3F9D];
	_ =	swait.ge [sflag:s4], $0x0  }
0x19: {  	s7 =	sld [smem:$0x3F9E]  }
0x1a: {  	s8 =	sadd.s32 $0xFFFFE003, lr  }
0x1b: {  	s9 =	sadd.s32 $0xFFFFFEF7, lr;
	s5 =	simm.s32 $0xFFFFFFFF;
	p2 =	slt.u32 s8, $0xFFFFF086  }
0x1c: {  	p1 =	slt.u32 s9, $0xF7A;
	s5 =	simm.s32 @!p2 $0x0  }
0x1d: {  	s5 =	simm.s32 @p1 $0x1;
	p0 =	seq.s32 s7, s2  }
0x1e: {  	s7 =	smul.u32 @!p0 $0xF7A, s2;
	p2 =	seq.s32 @!p0 s5, $0x0  }
0x1f: {  	s9 =	smul.u32 $0xF7A, s1;
	s8 =	simm.s32 @!p0 $0x1BF5;
	p2 =	por !p2, p0  }
0x20: {  	[sflag:s8] =	ssyncset.s32 @!p0 $0xFFFFF086;
	s6 =	sadd.s32 @!p0 s3, s7;
	s7 =	simm.s32 @!p0 $0x108  }
0x21: {  	s3 =	sadd.s32 s3, s9;
	s6 =	sadd.s32 @!p0 $0x88, s6;
	s7 =	simm.s32 @p2 $0x1082  }
0x22: {  	[simem:s7], [sflag:s8] =	dma.local @!p0 [hbm:s6], $0xF7A  }
0x23: {  	s9 =	sor.u32 $0xD0000000, s2;
	s6 =	simm.s32 $0x108;
	_ =	swait.ge @!p0 [sflag:s8], $0x0  }
0x24: {  	s3 =	sadd.s32 $0x88, s3;
	s6 =	simm.s32 @!p1 $0x1082;
	[sflag:s4] =	ssyncset.s32 $0xFFFFF086  }
0x25: {  	[simem:s6], [sflag:s4] =	dma.local [hbm:s3], $0xF7A  }
0x26: {  	[smem:$0x3F9E] =	sst s1;
	(tag) =	ssettag s2;
	_ =	strace s9  }
0x27: {  	s1 =	sld [smem:$0x3FAE]  }
0x28: {  	s2 =	sld [smem:$0x3FAF]  }
0x29: {  	s4 =	sld [smem:$0x3FB1]  }
0x2a: {  	p0 =	seq.s32 s5, $0x0;
	s5 =	sld [smem:$0x3FB2]  }
0x2b: {  	s6 =	sld [smem:$0x3FB3]  }
0x2c: {  	s7 =	sld [smem:$0x3FB4]  }
0x2d: {  	s3 =	simm.s32 $0x108;
	s8 =	sld [smem:$0x3FB5]  }
0x2e: {  	s3 =	simm.s32 @!p0 $0x1082;
	s9 =	sld [smem:$0x3FB6]  }
0x2f: {  	lr =	sadd.s32 s0, s3;
	s0 =	sld [smem:$0x3FAD]  }
0x30: {  	s3 =	sld [smem:$0x3FB0]  }
0x31: {  	[smem:$0x3FB9] =	sst s10  }
0x32: {  	s10 =	sld [smem:$0x3FB7];
	_ =	sdelay $0x3  }
0x33: {  	p0 =	seq.s32 s10, $0x1;
	s10 =	sld [smem:$0x3FB9];
	_ =	sdelay $0x3  }
0x34: {  	[smem:$0x3FB9] =	sst s10  }
0x35: {  	s10 =	sld [smem:$0x3FB8];
	_ =	sdelay $0x3  }
0x36: {  	p1 =	seq.s32 s10, $0x1;
	s10 =	sld [smem:$0x3FB9];
	_ =	sdelay $0x3  }
0x37: {  	[smem:$0x3FB9] =	sst s10  }
0x38: {  	s10 =	sld [smem:$0x3FBA]  }
0x39: {  	_ = 	snop;
	(pc) =	sbr.ind lr, $3  }
0x3a: {  	_ = 	snop  }
0x3b: {  	_ = 	snop  }
0x3c: {  	p2 =	seq.s32 s10, $0x1;
	s10 =	sld [smem:$0x3FB9]  }
0x3d: {  	_ =	shalt  }
0x3e: {  	_ =	shalt  }
0x3f: {  	_ =	shalt  }
0x40: {  	_ =	shalt  }
0x41: {  	_ =	shalt  }
0x42: {  	_ =	shalt  }
0x43: {  	_ =	shalt  }
0x44: {  	_ =	shalt  }
0x45: {  	_ =	shalt  }
0x46: {  	_ =	shalt  }
0x47: {  	_ =	shalt  }
0x48: {  	_ =	shalt  }
0x49: {  	_ =	shalt  }
0x4a: {  	_ =	shalt  }
0x4b: {  	_ =	shalt  }
0x4c: {  	_ =	shalt  }
0x4d: {  	_ =	shalt  }
0x4e: {  	_ =	shalt  }
0x4f: {  	_ =	shalt  }
0x50: {  	_ =	shalt  }
0x51: {  	_ =	shalt  }
0x52: {  	_ =	shalt  }
0x53: {  	_ =	shalt  }
0x54: {  	_ =	shalt  }
0x55: {  	_ =	shalt  }
0x56: {  	_ =	shalt  }
0x57: {  	_ =	shalt  }
0x58: {  	_ =	shalt  }
0x59: {  	_ =	shalt  }
0x5a: {  	_ =	shalt  }
0x5b: {  	_ =	shalt  }
0x5c: {  	_ =	shalt  }
0x5d: {  	_ =	shalt  }
0x5e: {  	_ =	shalt  }
0x5f: {  	_ =	shalt  }
0x60: {  	_ =	shalt  }
0x61: {  	_ =	shalt  }
0x62: {  	_ =	shalt  }
0x63: {  	_ =	shalt  }
0x64: {  	_ =	shalt  }
0x65: {  	_ =	shalt  }
0x66: {  	_ =	shalt  }
0x67: {  	_ =	shalt  }
0x68: {  	_ =	shalt  }
0x69: {  	_ =	shalt  }
0x6a: {  	_ =	shalt  }
0x6b: {  	_ =	shalt  }
0x6c: {  	_ =	shalt  }
0x6d: {  	_ =	shalt  }
0x6e: {  	_ =	shalt  }
0x6f: {  	_ =	shalt  }
0x70: {  	_ =	shalt  }
0x71: {  	_ =	shalt  }
0x72: {  	_ =	shalt  }
0x73: {  	_ =	shalt  }
0x74: {  	_ =	shalt  }
0x75: {  	_ =	shalt  }
0x76: {  	_ =	shalt  }
0x77: {  	_ =	shalt  }
0x78: {  	_ =	shalt  }
0x79: {  	_ =	shalt  }
0x7a: {  	_ =	shalt  }
0x7b: {  	_ =	shalt  }
0x7c: {  	_ =	shalt  }
0x7d: {  	_ =	shalt  }
0x7e: {  	_ =	shalt  }
0x7f: {  	_ =	shalt  }
0x80: {  	_ =	shalt  }
0x81: {  	_ =	shalt  }
0x82: {  	_ =	shalt  }
0x83: {  	_ =	shalt  }
0x84: {  	_ =	shalt  }
0x85: {  	_ =	shalt  }
0x86: {  	_ =	shalt  }
0x87: {  	_ =	shalt  }
.Lfunc_end0:
.L_simem_size_0:
called_computation_lowered:
.L_overlay_start_0:
0x88: {  	s2 =	sld [smem:$0x3FD9]  }
0x89: {  	s3 =	sld [smem:$0x3FFE];
	_ =	sdelay $0x1  }
0x8a: {  	s1 =	srdreg.scid  }
0x8b: {  	s0 =	sand.u32 $0x1, s1  }
0x8c: {  	s17 =	sshll.u32 s0, $0xA;
	s2 =	sadd.s32 s3, s2  }
0x8d: {  	s2 =	sadd.s32 s2, s17  }
0x8e: {  	[smem:$0x3FC5] =	sst s2  }
0x8f: {  	_ = 	snop  }
0x90: {  	s2 =	sld [smem:$0x3FC7];
	(tm) =	ssettm $0x1  }
0x91: {  	s18 =	sld [smem:$0x3FFB];
	_ =	sdelay $0x3  }
0x92: {  	_ =	strace s18  }
0x93: {  	s3 =	sld [smem:$0x3FFC];
	_ =	sdelay $0x3  }
0x94: {  	_ =	strace s3  }
0x95: {  	s3 =	sld [smem:$0x3FFD];
	_ =	sdelay $0x3  }
0x96: {  	_ =	strace s3  }
0x97: {  	_ =	strace $0x8FFFFFFF  }
0x98: {  	s19 =	sld [smem:$0x3FDB];
	_ =	sdelay $0x1  }
0x99: {  	s4 =	simm.s32 $_scs_section_size  }
0x9a: {  	s5 =	simm.s32 $_size__tile_overlayer_lowered;
	s6 =	simm.s32 $_tile_overlayer_lowered  }
0x9b: {  	s22 =	simm.s32 $0x1BFF;
	s21 =	sshll.u32 s6, $0x1;
	s3 =	sadd.s32 s4, s19  }
0x9c: {  	s7 =	simm.s32 $0x0;
	s20 =	sshll.u32 s5, $0x1;
	s5 =	sadd.s32 s21, s3  }
0x9d: {  	[timem:s7], [sflag:s22] =	dma.local [hbm:s5], s20  }
0x9e: {  	_ =	swait.ge [sflag:s22], s20  }
0x9f: {  	s4 =	ssub.s32 $0x0, s20;
	[sflag:s22] =	ssyncset.done $0x0  }
0xa0: {  	[sflag:s22] =	ssyncadd.s32 s4;
	_ =	sdelay $0x1  }
0xa1: {  	s23 =	simm.s32 $0x1B8B  }
0xa2: {  	_ =	swait.ge [sflag:s23], $0x1  }
0xa3: {  	[sflag:s23] =	ssyncset.done $0x0  }
0xa4: {  	s25 =	simm.s32 $0x1B8E;
	s24 =	sld [smem:$0x3FFE];
	[sflag:s23] =	ssyncadd.s32 $0xFFFFFFFF  }
0xa5: {  	s26 =	simm.s32 $execute0_lowered;
	[smem:$0x3FD2] =	sst s25  }
0xa6: {  	s5 =	sshll.u32 s26, $0x1;
	_ =	strace $0x80000046;
	[dreg:$0x1] =	wrdreg $0xFFFFFFFF  }
0xa7: {  	s28 =	simm.s32 $_size_execute0_lowered;
	s3 =	sadd.s32 s3, s5;
	[dreg:$0x0] =	wrdreg $0x0  }
0xa8: {  	s5 =	sshll.u32 s28, $0x1;
	[dreg:$0x2] =	wrdreg s3  }
0xa9: {  	[dreg:$0x3] =	wrdreg s5  }
0xaa: {  	[dreg:$0x4] =	wrdreg $0xC0  }
0xab: {  	_ =	task [dreg:s7], $0x5FFFF  }
0xac: {  	[dreg:$0x1] =	wrdreg $0xFFFFFFFF  }
0xad: {  	[dreg:$0x0] =	wrdreg $0x60  }
0xae: {  	[dreg:$0x2] =	wrdreg s24  }
0xaf: {  	[dreg:$0x3] =	wrdreg s2  }
0xb0: {  	[dreg:$0x4] =	wrdreg $0x9  }
0xb1: {  	_ =	task.clear_ibuf [dreg:s7], $0x5FFFF;
	_ =	strace $0x90000046  }
0xb2: {  	s29 =	simm.s32 $0x9;
	_ =	strace $0x80000048  }
0xb3: {  	_ =	swait.ge [sflag:s29], $0x1  }
0xb4: {  	[sflag:s29] =	ssyncadd.s32 $0xFFFFFFFF  }
0xb5: {  	_ =	strace $0x90000048  }
0xb6: {  	_ =	sfence  }
0xb7: {  	s30 =	sld [smem:$0x0];
	_ =	sdelay $0x2  }
0xb8: {  	s31 =	sshll.u32 s1, $0xD;
	s1 =	sshrl.u32 s1, $0x2  }
0xb9: {  	s3 =	sand.u32 $0x4000, s31;
	s1 =	sadd.s32 s1, s30  }
0xba: {  	s0 =	sor.u32 s3, s0;
	s1 =	sshll.u32 s1, $0x11  }
0xbb: {  	s0 =	sor.u32 s1, s0  }
0xbc: {  	s0 =	sadd.s32 $0x8F2B, s0  }
0xbd: {  	[sflag:s0] =	ssyncadd.remote.s32 $0x1  }
0xbe: {  	_ =	sfence.sel $0xFFFF  }
0xbf: {  	[dreg:$0x0] =	wrdreg $0xFFFFFFFF;
	(pc) =	sbr.abs _section_cstart, $3  }
0xc0: {  	[dreg:$0x1] =	wrdreg $0xFFFFFFFF  }
0xc1: {  	_ =	task.clear_ibuf [dreg:s7], $0x2FFFF;
	_ =	strace $0x9FFFFFFF  }
0xc2: {  	(tm) =	ssettm $0x7FFFFFFF  }
0xc3: {  	_ =	shalt  }
tec
execute0_lowered:
.L_overlay_start_1:
0x0: {  	(tag) =	ssettag $0x1  }
0x1: {  	s4 =	rddreg [dreg:$0x0]  }
0x2: {  	s2 =	rddreg [dreg:$0x1]  }
0x3: {  	s0 =	rddreg [dreg:$0x2]  }
0x4: {  	s3 =	simm.s32 $0x0;
	s5 =	srdreg.scid;
	s1 =	stileid.u32  }
0x5: {  	s9 =	simm.s32 $0x400;
	s10 =	simm.s32 $0x1;
	s11 =	simm.s32 $0x2  }
0x6: {  	s12 =	simm.s32 $0x3;
	s13 =	simm.s32 $0x1400;
	s14 =	simm.s32 $0x4  }
0x7: {  	[smem:$0x7FF] =	sst s3;
	s5 =	sand.u32 $0x1, s5;
	s6 =	sshll.u32 s1, $0x1  }
0x8: {  	s15 =	simm.s32 $0x0;
	_ =	strace $0x80000047;
	s6 =	sor.u32 s5, s6  }
0x9: {  	s5 =	ssub.s32 $0x2, s5;
	s7 =	sshll.u32 s6, $0x6;
	s6 =	sshll.u32 s6, $0x4  }
0xa: {  	s8 =	sshrl.u32 s5, $0x1;
	s7 =	sadd.s32 s7, s4;
	s6 =	sadd.s32 s6, s4  }
0xb: {  	s8 =	ssub.s32 s5, s8;
	s4 =	sadd.s32 $0x1200, s7;
	s5 =	sadd.s32 $0xA00, s7  }
0xc: {  	s6 =	sadd.s32 $0x1A00, s6;
	s7 =	smax.u32 s8, $0x1;
	s8 =	simm.s32 $0x200  }
.LBB2_1:
0xd: {  	[tilespmem:s3], [sflag:$0x1] =	stream.linear.gather [hbm4b:s4+s3], $0x200, $0x38;
	[tilespmem:$0x1480] =	vst v63  }
0xe: {  	_ = 	snop  }
0xf: {  	[tilespmem:s8], [sflag:$0x2] =	stream.linear.gather [hbm4b:s5+s3], $0x200, $0x38;
	[tilespmem:$0x1480] =	vst v63  }
0x10: {  	_ = 	snop  }
0x11: {  	[tilespmem:s9], [sflag:$0x3] =	stream.linear.gather [hbm4b:s2+s3], $0x1000, $0x38;
	[tilespmem:$0x1480] =	vst v63  }
0x12: {  	_ =	swait.ge [sflag:s10], $0x200  }
0x13: {  	[sflag:s10] =	ssyncset.done $0x0  }
0x14: {  	[sflag:s10] =	ssyncadd.s32 $0xFFFFFE00  }
0x15: {  	_ =	swait.ge [sflag:s11], $0x200  }
0x16: {  	[sflag:s11] =	ssyncset.done $0x0  }
0x17: {  	[sflag:s11] =	ssyncadd.s32 $0xFFFFFE00  }
0x18: {  	_ =	swait.ge [sflag:s12], $0x1000  }
0x19: {  	[sflag:s12] =	ssyncset.done $0x0  }
0x1a: {  	s16 =	simm.s32 $0x0;
	[sflag:s12] =	ssyncadd.s32 $0xFFFFF000  }
0x1b: {  	v2 =	vld [tilespmem:s16+$0x0];
	_ =	sdelay $0x6  }
0x1c: {  	v1 =	vld [tilespmem:s16+$0x200]  }
0x1d: {  	v0 =	vimm.f32 $0.0e+00;
	s17 =	simm.s32 $0x80;
	s16 =	simm.s32 $0x10;
	v2 =	vld.idx.msk [tilespmem:v2+s9+$0x0], $0xffff  }
.LBB2_2:
0x1e: {  	p0 =	sne.s32 s17, $0x7C0;
	v3 =	vld [tilespmem:s16+$0x0];
	_ =	sdelay $0x3  }
.Ltmp0:
0x1f: {  	(pc) =	sbr.rel @p0 .LBB2_2-.Ltmp0, $3  }
0x20: {  	v2 =	vmul.f32 v2, v1;
	_ =	sdelay $0x1  }
0x21: {  	v0 =	vadd.f32 v2, v0;
	v1 =	vld [tilespmem:s16+$0x200]  }
0x22: {  	s16 =	sshra.s32 s17, $0x2;
	s17 =	sadd.s32 $0x40, s17;
	v2 =	vld.idx.msk [tilespmem:v3+s9+$0x0], $0xffff  }
0x23: {  	v3 =	vld [tilespmem:s16+$0x0];
	_ =	sdelay $0x6  }
0x24: {  	v4 =	vld [tilespmem:s16+$0x200]  }
0x25: {  	v3 =	vld.idx.msk [tilespmem:v3+s9+$0x0], $0xffff;
	_ =	sdelay $0x2  }
0x26: {  	v1 =	vmul.f32 v2, v1;
	_ =	sdelay $0x1  }
0x27: {  	v0 =	vadd.f32 v1, v0;
	v63 =	vmul.f32 v3, v4;
	_ =	sdelay $0x1  }
0x28: {  	s15 =	sadd.s32 $0x1, s15;
	v0 =	vadd.f32 v63, v0  }
0x29: {  	p0 =	sne.s32 s15, s7  }
.Ltmp1:
0x2a: {  	[tilespmem:$0x1400] =	vst v0;
	(pc) =	sbr.rel @p0 .LBB2_1-.Ltmp1, $4  }
0x2b: {  	[hbm4b:s6+s3] =	stream.linear.scatter [tilespmem:s13], [sflag:$0x4], $0x80, $0x38;
	[tilespmem:$0x1480] =	vst v63  }
0x2c: {  	_ =	swait.ge [sflag:s14], $0x80  }
0x2d: {  	[sflag:s14] =	ssyncset.done $0x0  }
0x2e: {  	[sflag:s14] =	ssyncadd.s32 $0xFFFFFF80  }
0x2f: {  	_ =	sfence.sel $0x180000  }
0x30: {  	[bflag:$0x0] =	sbarrier.arrive $0xFFFF  }
0x31: {  	p0 =	sne.s32 s1, $0x0;
	_ =	strace $0x90000047  }
0x32: {  	s0 =	sadd.s32 @!p0 $0x100000, s0;
	[bflag:$0x2] =	sbarrier.arrive $0xFFFF  }
0x33: {  	[sflag:s0] =	ssyncadd.tile.s32 @!p0 $0x1;
	_ =	shalt  }
.Lfunc_end2:
_tile_overlayer_lowered:
.L_overlay_start_2:
0x34: {  	(tag) =	ssettag $0x2  }
0x35: {  	s0 =	rddreg [dreg:$0x0];
	s2 =	stileid.u32  }
0x36: {  	s1 =	rddreg [dreg:$0x1];
	p0 =	sne.s32 s2, $0x0  }
0x37: {  	s3 =	rddreg [dreg:$0x2];
	[bflag:$0x3] =	sbarrier.arrive $0xFFFF;
	s2 =	simm.s32 @!p0 $0x1C04  }
0x38: {  	[timem:s3], [sflag:s2] =	dma.local @!p0 [hbm:s0], s1  }
0x39: {  	s0 =	simm.s32 @!p0 $0x4  }
0x3a: {  	_ =	swait.ge @!p0 [sflag:s0], s1  }
0x3b: {  	s1 =	ssub.s32 @!p0 $0x0, s1;
	[sflag:s0] =	ssyncset.done @!p0 $0x0  }
0x3c: {  	[sflag:s0] =	ssyncadd.s32 @!p0 s1  }
0x3d: {  	[bflag:$0x3] =	sbarrier.arrive $0xFFFF  }
0x3e: {  	_ =	shalt  }

</sc_bundles>
